<compile_context>
chip_gen: v7x
topology: tpu7x:2x2x1
jax: 0.10.2.dev20260603
libtpu: 0.0.44.dev20260713+nightly
codegen_flags: <defaults>
</compile_context>

<pallas_src>
import jax
import jax.numpy as jnp
from jax import lax
from jax.experimental import pallas as pl
from jax.experimental.pallas import tpu as pltpu
from jax.experimental.pallas import tpu_sc as plsc

B, D, H, W = 16, 128, 128, 128
C = D // 2
HW = H * W
P = B * C
NW = 16
PPW = P // NW
L = 16
ROW = 4 * PPW


def _sc_body(out_hbm, staged_hbm, part_hbm,
             st_v, idx_v, vals_v, acc_v, sem_s, sem_g):
    sid = lax.axis_index("s")

    cp_st = pltpu.make_async_copy(staged_hbm.at[sid], st_v, sem_s)
    cp_st.start()
    cp_st.wait()

    base = sid * PPW
    iota = lax.iota(jnp.int32, L)
    for j in range(PPW // L):
        pair = base + j * L + iota
        ind = st_v[pl.ds(j * L, L)].astype(jnp.int32)
        f0 = pair * (2 * HW) + ind
        idx_v[pl.ds(j * L, L)] = f0
        idx_v[pl.ds(PPW + j * L, L)] = f0 + HW

    cp_g = pltpu.make_async_copy(out_hbm.at[idx_v], vals_v, sem_g)
    cp_g.start()
    cp_g.wait()

    acc = jnp.zeros((L,), jnp.float32)
    for j in range(2 * PPW // L):
        v = vals_v[pl.ds(j * L, L)]
        t = st_v[pl.ds(PPW + j * L, L)]
        m = st_v[pl.ds(3 * PPW + (j % (PPW // L)) * L, L)]
        acc = acc + jnp.abs(v * m - t * m)
    macc = jnp.zeros((L,), jnp.float32)
    for j in range(PPW // L):
        macc = macc + st_v[pl.ds(3 * PPW + j * L, L)]
    acc_v[pl.ds(0, L)] = acc
    acc_v[pl.ds(L, L)] = macc
    pltpu.sync_copy(acc_v, part_hbm.at[sid])


def _tc_reduce(part_ref, out_ref):
    p = part_ref[...]
    num = jnp.sum(p[:, :L])
    den = jnp.sum(p[:, L:])
    out_ref[...] = jnp.full((1, 1), num / (2.0 * den + 0.0001), jnp.float32)


@jax.jit
def _sc_loss(out_flat, staged):
    mesh = plsc.VectorSubcoreMesh(
        core_axis_name="c", subcore_axis_name="s", num_cores=1)
    part = pl.kernel(
        _sc_body,
        out_type=jax.ShapeDtypeStruct((NW, 2 * L), jnp.float32),
        mesh=mesh,
        scratch_types=[
            pltpu.VMEM((ROW,), jnp.float32),
            pltpu.VMEM((2 * PPW,), jnp.int32),
            pltpu.VMEM((2 * PPW,), jnp.float32),
            pltpu.VMEM((2 * L,), jnp.float32),
            pltpu.SemaphoreType.DMA,
            pltpu.SemaphoreType.DMA,
        ],
    )(out_flat, staged)
    loss = pl.pallas_call(
        _tc_reduce,
        out_shape=jax.ShapeDtypeStruct((1, 1), jnp.float32),
    )(part)
    return loss[0, 0]


def kernel(output, mask, ind, target):
    assert output.shape == (B, D, H, W)
    out_flat = output.reshape(B * D * H * W)
    ind_f = ind.reshape(NW, PPW).astype(jnp.float32)
    t = target.astype(jnp.float32)
    staged = jnp.concatenate(
        [ind_f,
         t[:, :, 0].reshape(NW, PPW),
         t[:, :, 1].reshape(NW, PPW),
         mask.astype(jnp.float32).reshape(NW, PPW)],
        axis=1)
    return _sc_loss(out_flat, staged)

# --- scband reference (transcript-rebuilt; emitter-appended) ---
"""Pipeline reference for scband-reg-l1-loss-29308856828273 (READ-ONLY COPY).

The authoritative reference and input builder live on the scoring server;
editing this copy changes nothing except your own understanding.
"""

import jax, jax.numpy as jnp
import numpy as np


def setup_inputs(seed: int = 0) -> dict:
    key = jax.random.key(seed)
    k1, k2, k3 = jax.random.split(key, 3)
    B, D, H, W = 16, 128, 128, 128
    C = D // 2  # number of objects = 64
    output = jax.random.normal(k1, (B, D, H, W), dtype=jnp.float32)
    mask = jnp.ones((B, C), dtype=jnp.float32)
    ind = jax.random.randint(k2, (B, C), 0, H * W)
    target = jax.random.normal(k3, (B, C, 2), dtype=jnp.float32)
    return {"output": output, "mask": mask, "ind": ind, "target": target}


def reference(output, mask, ind, target):
    B, D, H, W = output.shape
    C = D // 2
    # _tranpose_and_gather_feat: view (B, C, 2, H*W) then gather along last axis
    feat = output.reshape(B, C, 2, H * W)
    idx = ind[:, :, None, None]  # (B, C, 1, 1), broadcasts over the coord axis
    pred = jnp.take_along_axis(feat, idx, axis=3).squeeze(3)  # (B, C, 2)
    m = jnp.broadcast_to(mask[:, :, None].astype(jnp.float32), pred.shape)
    loss = jnp.sum(jnp.abs(pred * m - target * m))
    loss = loss / (jnp.sum(m) + 0.0001)
    return loss

if __name__ == "__main__":
    import jax
    _d = setup_inputs()
    print(jax.jit(kernel)(*tuple(_d.values())))

</pallas_src>

<mosaic_0001>
#map = affine_map<(d0, d1) -> (0)>
#map1 = affine_map<(d0, d1) -> (0, 0)>
module attributes {stable_mosaic.version = 14 : i64} {
  func.func @_sc_body(%arg0: i32, %arg1: i32, %arg2: memref<33554432xf32, #tpu.memory_space<hbm>>, %arg3: memref<16x256xf32, #tpu.memory_space<hbm>>, %arg4: memref<16x32xf32, #tpu.memory_space<hbm>>, %arg5: memref<256xf32, #tpu.memory_space<vmem>>, %arg6: memref<128xi32, #tpu.memory_space<vmem>>, %arg7: memref<128xf32, #tpu.memory_space<vmem>>, %arg8: memref<32xf32, #tpu.memory_space<vmem>>, %arg9: memref<!tpu.dma_semaphore, #tpu.memory_space<semaphore_mem>>, %arg10: memref<!tpu.dma_semaphore, #tpu.memory_space<semaphore_mem>>) attributes {dimension_semantics = [#tpu.dimension_semantics<core_parallel>, #tpu.dimension_semantics<subcore_parallel>], iteration_bounds = array<i64: 1, 16>, scalar_prefetch = 0 : i64, scratch_operands = 6 : i64, tpu.core_type = #tpu.core_type<sc_vector_subcore>, window_params = [{transform_indices = #map}, {transform_indices = #map1}, {transform_indices = #map1}]} {
    %dma_start3A = arith.constant 0 : i32
    %dma_start3A_0 = tpu.memref_slice %arg3[%arg1, %dma_start3A] : memref<16x256xf32, #tpu.memory_space<hbm>> -> memref<1x256xf32, #tpu.memory_space<hbm>>
    %dma_start3A_1 = tpu.memref_squeeze %dma_start3A_0 : memref<1x256xf32, #tpu.memory_space<hbm>> -> memref<256xf32, #tpu.memory_space<hbm>>
    %dma_start3A_2 = arith.constant 0 : i32
    %dma_start3A_3 = tpu.memref_slice %arg3[%arg1, %dma_start3A_2] : memref<16x256xf32, #tpu.memory_space<hbm>> -> memref<1x256xf32, #tpu.memory_space<hbm>>
    %dma_start3A_4 = tpu.memref_squeeze %dma_start3A_3 : memref<1x256xf32, #tpu.memory_space<hbm>> -> memref<256xf32, #tpu.memory_space<hbm>>
    tpu.enqueue_dma source(%dma_start3A_4 : memref<256xf32, #tpu.memory_space<hbm>>) target(%arg5 : memref<256xf32, #tpu.memory_space<vmem>>) target_semaphore(%arg9 : memref<!tpu.dma_semaphore, #tpu.memory_space<semaphore_mem>>)
    %dma_wait3A = arith.constant 0 : i32
    %dma_wait3A_5 = tpu.memref_slice %arg3[%arg1, %dma_wait3A] : memref<16x256xf32, #tpu.memory_space<hbm>> -> memref<1x256xf32, #tpu.memory_space<hbm>>
    %dma_wait3A_6 = tpu.memref_squeeze %dma_wait3A_5 : memref<1x256xf32, #tpu.memory_space<hbm>> -> memref<256xf32, #tpu.memory_space<hbm>>
    %dma_wait3A_7 = arith.constant 0 : i32
    %dma_wait3A_8 = tpu.memref_slice %arg3[%arg1, %dma_wait3A_7] : memref<16x256xf32, #tpu.memory_space<hbm>> -> memref<1x256xf32, #tpu.memory_space<hbm>>
    %dma_wait3A_9 = tpu.memref_squeeze %dma_wait3A_8 : memref<1x256xf32, #tpu.memory_space<hbm>> -> memref<256xf32, #tpu.memory_space<hbm>>
    tpu.wait_dma2 semaphore(%arg9 : memref<!tpu.dma_semaphore, #tpu.memory_space<semaphore_mem>>) src(%dma_wait3A_9 : memref<256xf32, #tpu.memory_space<hbm>>) dst(%arg5 : memref<256xf32, #tpu.memory_space<vmem>>)
    %mul3A = arith.constant 64 : i32
    %mul3A_10 = arith.muli %arg1, %mul3A : i32
    %iota3A = tpu.iota {dimensions = array<i32: 0>} : vector<16xi32>
    %add3A = arith.constant 0 : i32
    %add3A_11 = arith.addi %mul3A_10, %add3A : i32
    %add3A_12 = vector.broadcast %add3A_11 : i32 to vector<16xi32>
    %add3A_13 = arith.addi %add3A_12, %iota3A : vector<16xi32>
    %get3A = arith.constant 0 : index
    %get3A_14 = tpu.vector_load %arg5[%get3A] {strides = array<i32>} : memref<256xf32, #tpu.memory_space<vmem>>, vector<16xf32>,
    %get3A_15 = vector.shape_cast %get3A_14 : vector<16xf32> to vector<16xf32>
    %convert_element_type3A = arith.fptosi %get3A_15 : vector<16xf32> to vector<16xi32>
    %mul3A_16 = arith.constant 32768 : i32
    %mul3A_17 = vector.broadcast %mul3A_16 : i32 to vector<16xi32>
    %mul3A_18 = arith.muli %add3A_13, %mul3A_17 : vector<16xi32>
    %add3A_19 = arith.addi %mul3A_18, %convert_element_type3A : vector<16xi32>
    %swap3A = arith.constant 0 : index
    %swap3A_20 = tpu.vector_load %arg6[%swap3A] {strides = array<i32>} : memref<128xi32, #tpu.memory_space<vmem>>, vector<16xi32>,
    %swap3A_21 = vector.shape_cast %swap3A_20 : vector<16xi32> to vector<16xi32>
    %swap3A_22 = vector.shape_cast %add3A_19 : vector<16xi32> to vector<16xi32>
    tpu.vector_store %arg6[%swap3A], %swap3A_22 {strides = array<i32>} : memref<128xi32, #tpu.memory_space<vmem>>, vector<16xi32>,
    %add3A_23 = arith.constant 16384 : i32
    %add3A_24 = vector.broadcast %add3A_23 : i32 to vector<16xi32>
    %add3A_25 = arith.addi %add3A_19, %add3A_24 : vector<16xi32>
    %swap3A_26 = arith.constant 64 : index
    %swap3A_27 = tpu.vector_load %arg6[%swap3A_26] {strides = array<i32>} : memref<128xi32, #tpu.memory_space<vmem>>, vector<16xi32>,
    %swap3A_28 = vector.shape_cast %swap3A_27 : vector<16xi32> to vector<16xi32>
    %swap3A_29 = vector.shape_cast %add3A_25 : vector<16xi32> to vector<16xi32>
    tpu.vector_store %arg6[%swap3A_26], %swap3A_29 {strides = array<i32>} : memref<128xi32, #tpu.memory_space<vmem>>, vector<16xi32>,
    %add3A_30 = arith.constant 16 : i32
    %add3A_31 = arith.addi %mul3A_10, %add3A_30 : i32
    %add3A_32 = vector.broadcast %add3A_31 : i32 to vector<16xi32>
    %add3A_33 = arith.addi %add3A_32, %iota3A : vector<16xi32>
    %get3A_34 = arith.constant 16 : index
    %get3A_35 = tpu.vector_load %arg5[%get3A_34] {strides = array<i32>} : memref<256xf32, #tpu.memory_space<vmem>>, vector<16xf32>,
    %get3A_36 = vector.shape_cast %get3A_35 : vector<16xf32> to vector<16xf32>
    %convert_element_type3A_37 = arith.fptosi %get3A_36 : vector<16xf32> to vector<16xi32>
    %mul3A_38 = arith.constant 32768 : i32
    %mul3A_39 = vector.broadcast %mul3A_38 : i32 to vector<16xi32>
    %mul3A_40 = arith.muli %add3A_33, %mul3A_39 : vector<16xi32>
    %add3A_41 = arith.addi %mul3A_40, %convert_element_type3A_37 : vector<16xi32>
    %swap3A_42 = arith.constant 16 : index
    %swap3A_43 = tpu.vector_load %arg6[%swap3A_42] {strides = array<i32>} : memref<128xi32, #tpu.memory_space<vmem>>, vector<16xi32>,
    %swap3A_44 = vector.shape_cast %swap3A_43 : vector<16xi32> to vector<16xi32>
    %swap3A_45 = vector.shape_cast %add3A_41 : vector<16xi32> to vector<16xi32>
    tpu.vector_store %arg6[%swap3A_42], %swap3A_45 {strides = array<i32>} : memref<128xi32, #tpu.memory_space<vmem>>, vector<16xi32>,
    %add3A_46 = arith.constant 16384 : i32
    %add3A_47 = vector.broadcast %add3A_46 : i32 to vector<16xi32>
    %add3A_48 = arith.addi %add3A_41, %add3A_47 : vector<16xi32>
    %swap3A_49 = arith.constant 80 : index
    %swap3A_50 = tpu.vector_load %arg6[%swap3A_49] {strides = array<i32>} : memref<128xi32, #tpu.memory_space<vmem>>, vector<16xi32>,
    %swap3A_51 = vector.shape_cast %swap3A_50 : vector<16xi32> to vector<16xi32>
    %swap3A_52 = vector.shape_cast %add3A_48 : vector<16xi32> to vector<16xi32>
    tpu.vector_store %arg6[%swap3A_49], %swap3A_52 {strides = array<i32>} : memref<128xi32, #tpu.memory_space<vmem>>, vector<16xi32>,
    %add3A_53 = arith.constant 32 : i32
    %add3A_54 = arith.addi %mul3A_10, %add3A_53 : i32
    %add3A_55 = vector.broadcast %add3A_54 : i32 to vector<16xi32>
    %add3A_56 = arith.addi %add3A_55, %iota3A : vector<16xi32>
    %get3A_57 = arith.constant 32 : index
    %get3A_58 = tpu.vector_load %arg5[%get3A_57] {strides = array<i32>} : memref<256xf32, #tpu.memory_space<vmem>>, vector<16xf32>,
    %get3A_59 = vector.shape_cast %get3A_58 : vector<16xf32> to vector<16xf32>
    %convert_element_type3A_60 = arith.fptosi %get3A_59 : vector<16xf32> to vector<16xi32>
    %mul3A_61 = arith.constant 32768 : i32
    %mul3A_62 = vector.broadcast %mul3A_61 : i32 to vector<16xi32>
    %mul3A_63 = arith.muli %add3A_56, %mul3A_62 : vector<16xi32>
    %add3A_64 = arith.addi %mul3A_63, %convert_element_type3A_60 : vector<16xi32>
    %swap3A_65 = arith.constant 32 : index
    %swap3A_66 = tpu.vector_load %arg6[%swap3A_65] {strides = array<i32>} : memref<128xi32, #tpu.memory_space<vmem>>, vector<16xi32>,
    %swap3A_67 = vector.shape_cast %swap3A_66 : vector<16xi32> to vector<16xi32>
    %swap3A_68 = vector.shape_cast %add3A_64 : vector<16xi32> to vector<16xi32>
    tpu.vector_store %arg6[%swap3A_65], %swap3A_68 {strides = array<i32>} : memref<128xi32, #tpu.memory_space<vmem>>, vector<16xi32>,
    %add3A_69 = arith.constant 16384 : i32
    %add3A_70 = vector.broadcast %add3A_69 : i32 to vector<16xi32>
    %add3A_71 = arith.addi %add3A_64, %add3A_70 : vector<16xi32>
    %swap3A_72 = arith.constant 96 : index
    %swap3A_73 = tpu.vector_load %arg6[%swap3A_72] {strides = array<i32>} : memref<128xi32, #tpu.memory_space<vmem>>, vector<16xi32>,
    %swap3A_74 = vector.shape_cast %swap3A_73 : vector<16xi32> to vector<16xi32>
    %swap3A_75 = vector.shape_cast %add3A_71 : vector<16xi32> to vector<16xi32>
    tpu.vector_store %arg6[%swap3A_72], %swap3A_75 {strides = array<i32>} : memref<128xi32, #tpu.memory_space<vmem>>, vector<16xi32>,
    %add3A_76 = arith.constant 48 : i32
    %add3A_77 = arith.addi %mul3A_10, %add3A_76 : i32
    %add3A_78 = vector.broadcast %add3A_77 : i32 to vector<16xi32>
    %add3A_79 = arith.addi %add3A_78, %iota3A : vector<16xi32>
    %get3A_80 = arith.constant 48 : index
    %get3A_81 = tpu.vector_load %arg5[%get3A_80] {strides = array<i32>} : memref<256xf32, #tpu.memory_space<vmem>>, vector<16xf32>,
    %get3A_82 = vector.shape_cast %get3A_81 : vector<16xf32> to vector<16xf32>
    %convert_element_type3A_83 = arith.fptosi %get3A_82 : vector<16xf32> to vector<16xi32>
    %mul3A_84 = arith.constant 32768 : i32
    %mul3A_85 = vector.broadcast %mul3A_84 : i32 to vector<16xi32>
    %mul3A_86 = arith.muli %add3A_79, %mul3A_85 : vector<16xi32>
    %add3A_87 = arith.addi %mul3A_86, %convert_element_type3A_83 : vector<16xi32>
    %swap3A_88 = arith.constant 48 : index
    %swap3A_89 = tpu.vector_load %arg6[%swap3A_88] {strides = array<i32>} : memref<128xi32, #tpu.memory_space<vmem>>, vector<16xi32>,
    %swap3A_90 = vector.shape_cast %swap3A_89 : vector<16xi32> to vector<16xi32>
    %swap3A_91 = vector.shape_cast %add3A_87 : vector<16xi32> to vector<16xi32>
    tpu.vector_store %arg6[%swap3A_88], %swap3A_91 {strides = array<i32>} : memref<128xi32, #tpu.memory_space<vmem>>, vector<16xi32>,
    %add3A_92 = arith.constant 16384 : i32
    %add3A_93 = vector.broadcast %add3A_92 : i32 to vector<16xi32>
    %add3A_94 = arith.addi %add3A_87, %add3A_93 : vector<16xi32>
    %swap3A_95 = arith.constant 112 : index
    %swap3A_96 = tpu.vector_load %arg6[%swap3A_95] {strides = array<i32>} : memref<128xi32, #tpu.memory_space<vmem>>, vector<16xi32>,
    %swap3A_97 = vector.shape_cast %swap3A_96 : vector<16xi32> to vector<16xi32>
    %swap3A_98 = vector.shape_cast %add3A_94 : vector<16xi32> to vector<16xi32>
    tpu.vector_store %arg6[%swap3A_95], %swap3A_98 {strides = array<i32>} : memref<128xi32, #tpu.memory_space<vmem>>, vector<16xi32>,
    %dma_start3A_99 = arith.constant 0 : i32
    %dma_start3A_100 = tpu.memref_slice %arg2[%dma_start3A_99] : memref<33554432xf32, #tpu.memory_space<hbm>> -> memref<33554432xf32, #tpu.memory_space<hbm>>
    tpu.enqueue_indirect_dma source(%dma_start3A_100 : memref<33554432xf32, #tpu.memory_space<hbm>>) target(%arg7 : memref<128xf32, #tpu.memory_space<vmem>>) offsets(%arg6 : memref<128xi32, #tpu.memory_space<vmem>>) semaphore(%arg10 : memref<!tpu.dma_semaphore, #tpu.memory_space<semaphore_mem>>)
    %dma_wait3A_101 = arith.constant 0 : i32
    %dma_wait3A_102 = tpu.memref_slice %arg2[%dma_wait3A_101] : memref<33554432xf32, #tpu.memory_space<hbm>> -> memref<33554432xf32, #tpu.memory_space<hbm>>
    tpu.wait_indirect_dma semaphore(%arg10 : memref<!tpu.dma_semaphore, #tpu.memory_space<semaphore_mem>>) src(%dma_wait3A_102 : memref<33554432xf32, #tpu.memory_space<hbm>>) dst(%arg7 : memref<128xf32, #tpu.memory_space<vmem>>)
    %broadcast_in_dim3A = arith.constant 0.000000e+00 : f32
    %broadcast_in_dim3A_103 = vector.broadcast %broadcast_in_dim3A : f32 to vector<16xf32>
    %get3A_104 = arith.constant 0 : index
    %get3A_105 = tpu.vector_load %arg7[%get3A_104] {strides = array<i32>} : memref<128xf32, #tpu.memory_space<vmem>>, vector<16xf32>,
    %get3A_106 = vector.shape_cast %get3A_105 : vector<16xf32> to vector<16xf32>
    %get3A_107 = arith.constant 64 : index
    %get3A_108 = tpu.vector_load %arg5[%get3A_107] {strides = array<i32>} : memref<256xf32, #tpu.memory_space<vmem>>, vector<16xf32>,
    %get3A_109 = vector.shape_cast %get3A_108 : vector<16xf32> to vector<16xf32>
    %get3A_110 = arith.constant 192 : index
    %get3A_111 = tpu.vector_load %arg5[%get3A_110] {strides = array<i32>} : memref<256xf32, #tpu.memory_space<vmem>>, vector<16xf32>,
    %get3A_112 = vector.shape_cast %get3A_111 : vector<16xf32> to vector<16xf32>
    %mul3A_113 = arith.mulf %get3A_106, %get3A_112 : vector<16xf32>
    %mul3A_114 = arith.mulf %get3A_109, %get3A_112 : vector<16xf32>
    %sub3A = arith.subf %mul3A_113, %mul3A_114 : vector<16xf32>
    %abs3A = math.absf %sub3A : vector<16xf32>
    %add3A_115 = arith.addf %broadcast_in_dim3A_103, %abs3A : vector<16xf32>
    %get3A_116 = arith.constant 16 : index
    %get3A_117 = tpu.vector_load %arg7[%get3A_116] {strides = array<i32>} : memref<128xf32, #tpu.memory_space<vmem>>, vector<16xf32>,
    %get3A_118 = vector.shape_cast %get3A_117 : vector<16xf32> to vector<16xf32>
    %get3A_119 = arith.constant 80 : index
    %get3A_120 = tpu.vector_load %arg5[%get3A_119] {strides = array<i32>} : memref<256xf32, #tpu.memory_space<vmem>>, vector<16xf32>,
    %get3A_121 = vector.shape_cast %get3A_120 : vector<16xf32> to vector<16xf32>
    %get3A_122 = arith.constant 208 : index
    %get3A_123 = tpu.vector_load %arg5[%get3A_122] {strides = array<i32>} : memref<256xf32, #tpu.memory_space<vmem>>, vector<16xf32>,
    %get3A_124 = vector.shape_cast %get3A_123 : vector<16xf32> to vector<16xf32>
    %mul3A_125 = arith.mulf %get3A_118, %get3A_124 : vector<16xf32>
    %mul3A_126 = arith.mulf %get3A_121, %get3A_124 : vector<16xf32>
    %sub3A_127 = arith.subf %mul3A_125, %mul3A_126 : vector<16xf32>
    %abs3A_128 = math.absf %sub3A_127 : vector<16xf32>
    %add3A_129 = arith.addf %add3A_115, %abs3A_128 : vector<16xf32>
    %get3A_130 = arith.constant 32 : index
    %get3A_131 = tpu.vector_load %arg7[%get3A_130] {strides = array<i32>} : memref<128xf32, #tpu.memory_space<vmem>>, vector<16xf32>,
    %get3A_132 = vector.shape_cast %get3A_131 : vector<16xf32> to vector<16xf32>
    %get3A_133 = arith.constant 96 : index
    %get3A_134 = tpu.vector_load %arg5[%get3A_133] {strides = array<i32>} : memref<256xf32, #tpu.memory_space<vmem>>, vector<16xf32>,
    %get3A_135 = vector.shape_cast %get3A_134 : vector<16xf32> to vector<16xf32>
    %get3A_136 = arith.constant 224 : index
    %get3A_137 = tpu.vector_load %arg5[%get3A_136] {strides = array<i32>} : memref<256xf32, #tpu.memory_space<vmem>>, vector<16xf32>,
    %get3A_138 = vector.shape_cast %get3A_137 : vector<16xf32> to vector<16xf32>
    %mul3A_139 = arith.mulf %get3A_132, %get3A_138 : vector<16xf32>
    %mul3A_140 = arith.mulf %get3A_135, %get3A_138 : vector<16xf32>
    %sub3A_141 = arith.subf %mul3A_139, %mul3A_140 : vector<16xf32>
    %abs3A_142 = math.absf %sub3A_141 : vector<16xf32>
    %add3A_143 = arith.addf %add3A_129, %abs3A_142 : vector<16xf32>
    %get3A_144 = arith.constant 48 : index
    %get3A_145 = tpu.vector_load %arg7[%get3A_144] {strides = array<i32>} : memref<128xf32, #tpu.memory_space<vmem>>, vector<16xf32>,
    %get3A_146 = vector.shape_cast %get3A_145 : vector<16xf32> to vector<16xf32>
    %get3A_147 = arith.constant 112 : index
    %get3A_148 = tpu.vector_load %arg5[%get3A_147] {strides = array<i32>} : memref<256xf32, #tpu.memory_space<vmem>>, vector<16xf32>,
    %get3A_149 = vector.shape_cast %get3A_148 : vector<16xf32> to vector<16xf32>
    %get3A_150 = arith.constant 240 : index
    %get3A_151 = tpu.vector_load %arg5[%get3A_150] {strides = array<i32>} : memref<256xf32, #tpu.memory_space<vmem>>, vector<16xf32>,
    %get3A_152 = vector.shape_cast %get3A_151 : vector<16xf32> to vector<16xf32>
    %mul3A_153 = arith.mulf %get3A_146, %get3A_152 : vector<16xf32>
    %mul3A_154 = arith.mulf %get3A_149, %get3A_152 : vector<16xf32>
    %sub3A_155 = arith.subf %mul3A_153, %mul3A_154 : vector<16xf32>
    %abs3A_156 = math.absf %sub3A_155 : vector<16xf32>
    %add3A_157 = arith.addf %add3A_143, %abs3A_156 : vector<16xf32>
    %get3A_158 = arith.constant 64 : index
    %get3A_159 = tpu.vector_load %arg7[%get3A_158] {strides = array<i32>} : memref<128xf32, #tpu.memory_space<vmem>>, vector<16xf32>,
    %get3A_160 = vector.shape_cast %get3A_159 : vector<16xf32> to vector<16xf32>
    %get3A_161 = arith.constant 128 : index
    %get3A_162 = tpu.vector_load %arg5[%get3A_161] {strides = array<i32>} : memref<256xf32, #tpu.memory_space<vmem>>, vector<16xf32>,
    %get3A_163 = vector.shape_cast %get3A_162 : vector<16xf32> to vector<16xf32>
    %get3A_164 = arith.constant 192 : index
    %get3A_165 = tpu.vector_load %arg5[%get3A_164] {strides = array<i32>} : memref<256xf32, #tpu.memory_space<vmem>>, vector<16xf32>,
    %get3A_166 = vector.shape_cast %get3A_165 : vector<16xf32> to vector<16xf32>
    %mul3A_167 = arith.mulf %get3A_160, %get3A_166 : vector<16xf32>
    %mul3A_168 = arith.mulf %get3A_163, %get3A_166 : vector<16xf32>
    %sub3A_169 = arith.subf %mul3A_167, %mul3A_168 : vector<16xf32>
    %abs3A_170 = math.absf %sub3A_169 : vector<16xf32>
    %add3A_171 = arith.addf %add3A_157, %abs3A_170 : vector<16xf32>
    %get3A_172 = arith.constant 80 : index
    %get3A_173 = tpu.vector_load %arg7[%get3A_172] {strides = array<i32>} : memref<128xf32, #tpu.memory_space<vmem>>, vector<16xf32>,
    %get3A_174 = vector.shape_cast %get3A_173 : vector<16xf32> to vector<16xf32>
    %get3A_175 = arith.constant 144 : index
    %get3A_176 = tpu.vector_load %arg5[%get3A_175] {strides = array<i32>} : memref<256xf32, #tpu.memory_space<vmem>>, vector<16xf32>,
    %get3A_177 = vector.shape_cast %get3A_176 : vector<16xf32> to vector<16xf32>
    %get3A_178 = arith.constant 208 : index
    %get3A_179 = tpu.vector_load %arg5[%get3A_178] {strides = array<i32>} : memref<256xf32, #tpu.memory_space<vmem>>, vector<16xf32>,
    %get3A_180 = vector.shape_cast %get3A_179 : vector<16xf32> to vector<16xf32>
    %mul3A_181 = arith.mulf %get3A_174, %get3A_180 : vector<16xf32>
    %mul3A_182 = arith.mulf %get3A_177, %get3A_180 : vector<16xf32>
    %sub3A_183 = arith.subf %mul3A_181, %mul3A_182 : vector<16xf32>
    %abs3A_184 = math.absf %sub3A_183 : vector<16xf32>
    %add3A_185 = arith.addf %add3A_171, %abs3A_184 : vector<16xf32>
    %get3A_186 = arith.constant 96 : index
    %get3A_187 = tpu.vector_load %arg7[%get3A_186] {strides = array<i32>} : memref<128xf32, #tpu.memory_space<vmem>>, vector<16xf32>,
    %get3A_188 = vector.shape_cast %get3A_187 : vector<16xf32> to vector<16xf32>
    %get3A_189 = arith.constant 160 : index
    %get3A_190 = tpu.vector_load %arg5[%get3A_189] {strides = array<i32>} : memref<256xf32, #tpu.memory_space<vmem>>, vector<16xf32>,
    %get3A_191 = vector.shape_cast %get3A_190 : vector<16xf32> to vector<16xf32>
    %get3A_192 = arith.constant 224 : index
    %get3A_193 = tpu.vector_load %arg5[%get3A_192] {strides = array<i32>} : memref<256xf32, #tpu.memory_space<vmem>>, vector<16xf32>,
    %get3A_194 = vector.shape_cast %get3A_193 : vector<16xf32> to vector<16xf32>
    %mul3A_195 = arith.mulf %get3A_188, %get3A_194 : vector<16xf32>
    %mul3A_196 = arith.mulf %get3A_191, %get3A_194 : vector<16xf32>
    %sub3A_197 = arith.subf %mul3A_195, %mul3A_196 : vector<16xf32>
    %abs3A_198 = math.absf %sub3A_197 : vector<16xf32>
    %add3A_199 = arith.addf %add3A_185, %abs3A_198 : vector<16xf32>
    %get3A_200 = arith.constant 112 : index
    %get3A_201 = tpu.vector_load %arg7[%get3A_200] {strides = array<i32>} : memref<128xf32, #tpu.memory_space<vmem>>, vector<16xf32>,
    %get3A_202 = vector.shape_cast %get3A_201 : vector<16xf32> to vector<16xf32>
    %get3A_203 = arith.constant 176 : index
    %get3A_204 = tpu.vector_load %arg5[%get3A_203] {strides = array<i32>} : memref<256xf32, #tpu.memory_space<vmem>>, vector<16xf32>,
    %get3A_205 = vector.shape_cast %get3A_204 : vector<16xf32> to vector<16xf32>
    %get3A_206 = arith.constant 240 : index
    %get3A_207 = tpu.vector_load %arg5[%get3A_206] {strides = array<i32>} : memref<256xf32, #tpu.memory_space<vmem>>, vector<16xf32>,
    %get3A_208 = vector.shape_cast %get3A_207 : vector<16xf32> to vector<16xf32>
    %mul3A_209 = arith.mulf %get3A_202, %get3A_208 : vector<16xf32>
    %mul3A_210 = arith.mulf %get3A_205, %get3A_208 : vector<16xf32>
    %sub3A_211 = arith.subf %mul3A_209, %mul3A_210 : vector<16xf32>
    %abs3A_212 = math.absf %sub3A_211 : vector<16xf32>
    %add3A_213 = arith.addf %add3A_199, %abs3A_212 : vector<16xf32>
    %broadcast_in_dim3A_214 = arith.constant 0.000000e+00 : f32
    %broadcast_in_dim3A_215 = vector.broadcast %broadcast_in_dim3A_214 : f32 to vector<16xf32>
    %get3A_216 = arith.constant 192 : index
    %get3A_217 = tpu.vector_load %arg5[%get3A_216] {strides = array<i32>} : memref<256xf32, #tpu.memory_space<vmem>>, vector<16xf32>,
    %get3A_218 = vector.shape_cast %get3A_217 : vector<16xf32> to vector<16xf32>
    %add3A_219 = arith.addf %broadcast_in_dim3A_215, %get3A_218 : vector<16xf32>
    %get3A_220 = arith.constant 208 : index
    %get3A_221 = tpu.vector_load %arg5[%get3A_220] {strides = array<i32>} : memref<256xf32, #tpu.memory_space<vmem>>, vector<16xf32>,
    %get3A_222 = vector.shape_cast %get3A_221 : vector<16xf32> to vector<16xf32>
    %add3A_223 = arith.addf %add3A_219, %get3A_222 : vector<16xf32>
    %get3A_224 = arith.constant 224 : index
    %get3A_225 = tpu.vector_load %arg5[%get3A_224] {strides = array<i32>} : memref<256xf32, #tpu.memory_space<vmem>>, vector<16xf32>,
    %get3A_226 = vector.shape_cast %get3A_225 : vector<16xf32> to vector<16xf32>
    %add3A_227 = arith.addf %add3A_223, %get3A_226 : vector<16xf32>
    %get3A_228 = arith.constant 240 : index
    %get3A_229 = tpu.vector_load %arg5[%get3A_228] {strides = array<i32>} : memref<256xf32, #tpu.memory_space<vmem>>, vector<16xf32>,
    %get3A_230 = vector.shape_cast %get3A_229 : vector<16xf32> to vector<16xf32>
    %add3A_231 = arith.addf %add3A_227, %get3A_230 : vector<16xf32>
    %swap3A_232 = arith.constant 0 : index
    %swap3A_233 = tpu.vector_load %arg8[%swap3A_232] {strides = array<i32>} : memref<32xf32, #tpu.memory_space<vmem>>, vector<16xf32>,
    %swap3A_234 = vector.shape_cast %swap3A_233 : vector<16xf32> to vector<16xf32>
    %swap3A_235 = vector.shape_cast %add3A_213 : vector<16xf32> to vector<16xf32>
    tpu.vector_store %arg8[%swap3A_232], %swap3A_235 {strides = array<i32>} : memref<32xf32, #tpu.memory_space<vmem>>, vector<16xf32>,
    %swap3A_236 = arith.constant 16 : index
    %swap3A_237 = tpu.vector_load %arg8[%swap3A_236] {strides = array<i32>} : memref<32xf32, #tpu.memory_space<vmem>>, vector<16xf32>,
    %swap3A_238 = vector.shape_cast %swap3A_237 : vector<16xf32> to vector<16xf32>
    %swap3A_239 = vector.shape_cast %add3A_231 : vector<16xf32> to vector<16xf32>
    tpu.vector_store %arg8[%swap3A_236], %swap3A_239 {strides = array<i32>} : memref<32xf32, #tpu.memory_space<vmem>>, vector<16xf32>,
    "tpu.region"() ({
      %run_scoped3A = tpu.sem_alloc : memref<!tpu.dma_semaphore, #tpu.memory_space<semaphore_mem>>
      %dma_start3A_240 = arith.constant 0 : i32
      %dma_start3A_241 = tpu.memref_slice %arg4[%arg1, %dma_start3A_240] : memref<16x32xf32, #tpu.memory_space<hbm>> -> memref<1x32xf32, #tpu.memory_space<hbm>>
      %dma_start3A_242 = tpu.memref_squeeze %dma_start3A_241 : memref<1x32xf32, #tpu.memory_space<hbm>> -> memref<32xf32, #tpu.memory_space<hbm>>
      %dma_start3A_243 = arith.constant 0 : i32
      %dma_start3A_244 = tpu.memref_slice %arg4[%arg1, %dma_start3A_243] : memref<16x32xf32, #tpu.memory_space<hbm>> -> memref<1x32xf32, #tpu.memory_space<hbm>>
      %dma_start3A_245 = tpu.memref_squeeze %dma_start3A_244 : memref<1x32xf32, #tpu.memory_space<hbm>> -> memref<32xf32, #tpu.memory_space<hbm>>
      tpu.enqueue_dma source(%arg8 : memref<32xf32, #tpu.memory_space<vmem>>) target(%dma_start3A_245 : memref<32xf32, #tpu.memory_space<hbm>>) target_semaphore(%run_scoped3A : memref<!tpu.dma_semaphore, #tpu.memory_space<semaphore_mem>>)
      %dma_wait3A_246 = arith.constant 0 : i32
      %dma_wait3A_247 = tpu.memref_slice %arg4[%arg1, %dma_wait3A_246] : memref<16x32xf32, #tpu.memory_space<hbm>> -> memref<1x32xf32, #tpu.memory_space<hbm>>
      %dma_wait3A_248 = tpu.memref_squeeze %dma_wait3A_247 : memref<1x32xf32, #tpu.memory_space<hbm>> -> memref<32xf32, #tpu.memory_space<hbm>>
      %dma_wait3A_249 = arith.constant 0 : i32
      %dma_wait3A_250 = tpu.memref_slice %arg4[%arg1, %dma_wait3A_249] : memref<16x32xf32, #tpu.memory_space<hbm>> -> memref<1x32xf32, #tpu.memory_space<hbm>>
      %dma_wait3A_251 = tpu.memref_squeeze %dma_wait3A_250 : memref<1x32xf32, #tpu.memory_space<hbm>> -> memref<32xf32, #tpu.memory_space<hbm>>
      tpu.wait_dma2 semaphore(%run_scoped3A : memref<!tpu.dma_semaphore, #tpu.memory_space<semaphore_mem>>) src(%arg8 : memref<32xf32, #tpu.memory_space<vmem>>) dst(%dma_wait3A_251 : memref<32xf32, #tpu.memory_space<hbm>>)
      tpu.yield
    }) : () -> ()
    return
  }
}

module attributes {stable_mosaic.version = 14 : i64} {
  func.func @_tc_reduce(%arg0: memref<16x32xf32, #tpu.memory_space<vmem>>, %arg1: memref<1x1xf32, #tpu.memory_space<vmem>>) attributes {dimension_semantics = [], scalar_prefetch = 0 : i64, scratch_operands = 0 : i64, tpu.core_type = #tpu.core_type<tc>} {
    %get3A = arith.constant 0 : index
    %get3A_0 = arith.constant 0 : index
    %get3A_1 = vector.load %arg0[%get3A, %get3A_0] : memref<16x32xf32, #tpu.memory_space<vmem>>, vector<16x32xf32>
    %slice3A = vector.extract_strided_slice %get3A_1 {offsets = [0, 0], sizes = [16, 16], strides = [1, 1]} : vector<16x32xf32> to vector<16x16xf32>
    %reduce_sum3A = vector.shape_cast %slice3A : vector<16x16xf32> to vector<1x16x16xf32>
    %reduce_sum3A_2 = arith.constant dense<0.000000e+00> : vector<1xf32>
    %reduce_sum3A_3 = vector.multi_reduction <add>, %reduce_sum3A, %reduce_sum3A_2 [1, 2] : vector<1x16x16xf32> to vector<1xf32>
    %reduce_sum3A_4 = vector.shape_cast %reduce_sum3A_3 : vector<1xf32> to vector<1x1x1xf32>
    %reduce_sum3A_5 = vector.extract %reduce_sum3A_4[0, 0, 0] : f32 from vector<1x1x1xf32>
    %slice3A_6 = vector.extract_strided_slice %get3A_1 {offsets = [0, 16], sizes = [16, 16], strides = [1, 1]} : vector<16x32xf32> to vector<16x16xf32>
    %reduce_sum3A_7 = vector.shape_cast %slice3A_6 : vector<16x16xf32> to vector<1x16x16xf32>
    %reduce_sum3A_8 = arith.constant dense<0.000000e+00> : vector<1xf32>
    %reduce_sum3A_9 = vector.multi_reduction <add>, %reduce_sum3A_7, %reduce_sum3A_8 [1, 2] : vector<1x16x16xf32> to vector<1xf32>
    %reduce_sum3A_10 = vector.shape_cast %reduce_sum3A_9 : vector<1xf32> to vector<1x1x1xf32>
    %reduce_sum3A_11 = vector.extract %reduce_sum3A_10[0, 0, 0] : f32 from vector<1x1x1xf32>
    %mul3A = arith.constant 2.000000e+00 : f32
    %mul3A_12 = arith.mulf %mul3A, %reduce_sum3A_11 : f32
    %add3A = arith.constant 9.99999974E-5 : f32
    %add3A_13 = arith.addf %mul3A_12, %add3A : f32
    %div3A = arith.divf %reduce_sum3A_5, %add3A_13 : f32
    %broadcast_in_dim3A = vector.broadcast %div3A : f32 to vector<1x1xf32>
    %swap3A = arith.constant 0 : index
    %swap3A_14 = arith.constant 0 : index
    %swap3A_15 = vector.load %arg1[%swap3A, %swap3A_14] : memref<1x1xf32, #tpu.memory_space<vmem>>, vector<1x1xf32>
    tpu.vector_store %arg1[%swap3A, %swap3A_14], %broadcast_in_dim3A {strides = array<i32>} : memref<1x1xf32, #tpu.memory_space<vmem>>, vector<1x1xf32>,
    return
  }
}

</mosaic_0001>

<sc_bundles>
// kernel: _sc_loss.4.cloned.1.call-start
scs
__scs_entry_jumppad:
0x0: {  	(pc) =	sbr.rel $0x88, $3  }
0x1: {  	(tag) =	ssettag $0x0;
	lr =	simm.s32 $0x1  }
0x2: {  	[smem:$0x3F9F] =	sst lr;
	_ =	strace $0xD0000000  }
0x3: {  	_ = 	snop  }
0x4: {  	_ = 	snop  }
0x5: {  	_ = 	snop  }
0x6: {  	_ = 	snop  }
0x7: {  	_ = 	snop  }
__scs_overlays_trampoline_lowered:
0x8: {  	[smem:$0x3FAE] =	sst s0  }
0x9: {  	[smem:$0x3FAF] =	sst s1  }
0xa: {  	[smem:$0x3FB0] =	sst s2  }
0xb: {  	[smem:$0x3FB1] =	sst s3  }
0xc: {  	[smem:$0x3FB2] =	sst s4  }
0xd: {  	[smem:$0x3FB3] =	sst s5  }
0xe: {  	[smem:$0x3FB4] =	sst s6  }
0xf: {  	[smem:$0x3FB5] =	sst s7  }
0x10: {  	[smem:$0x3FB6] =	sst s8  }
0x11: {  	[smem:$0x3FB7] =	sst s9;
	s0 =	simm.s32 @!p0 $0x0  }
0x12: {  	s1 =	sld [smem:$0x3F9D];
	s0 =	simm.s32 @p0 $0x1  }
0x13: {  	[smem:$0x3FB8] =	sst s0;
	s0 =	simm.s32 @!p1 $0x0  }
0x14: {  	s2 =	sld [smem:$0x3F9C];
	s0 =	simm.s32 @p1 $0x1  }
0x15: {  	[smem:$0x3FB9] =	sst s0;
	s0 =	simm.s32 @!p2 $0x0  }
0x16: {  	s3 =	sld [smem:$0x3FDB];
	s0 =	simm.s32 @p2 $0x1  }
0x17: {  	s4 =	simm.s32 $0x1BF5;
	[smem:$0x3FBB] =	sst s0  }
0x18: {  	s0 =	sld [smem:$0x3F9E];
	_ =	swait.ge [sflag:s4], $0x0  }
0x19: {  	s7 =	sld [smem:$0x3F9F]  }
0x1a: {  	s8 =	sadd.s32 $0xFFFFE003, lr  }
0x1b: {  	s9 =	sadd.s32 $0xFFFFFEF7, lr;
	s5 =	simm.s32 $0xFFFFFFFF;
	p2 =	slt.u32 s8, $0xFFFFF086  }
0x1c: {  	p1 =	slt.u32 s9, $0xF7A;
	s5 =	simm.s32 @!p2 $0x0  }
0x1d: {  	s5 =	simm.s32 @p1 $0x1;
	p0 =	seq.s32 s7, s2  }
0x1e: {  	s7 =	smul.u32 @!p0 $0xF7A, s2;
	p2 =	seq.s32 @!p0 s5, $0x0  }
0x1f: {  	s9 =	smul.u32 $0xF7A, s1;
	s8 =	simm.s32 @!p0 $0x1BF5;
	p2 =	por !p2, p0  }
0x20: {  	[sflag:s8] =	ssyncset.s32 @!p0 $0xFFFFF086;
	s6 =	sadd.s32 @!p0 s3, s7;
	s7 =	simm.s32 @!p0 $0x108  }
0x21: {  	s3 =	sadd.s32 s3, s9;
	s6 =	sadd.s32 @!p0 $0x88, s6;
	s7 =	simm.s32 @p2 $0x1082  }
0x22: {  	[simem:s7], [sflag:s8] =	dma.local @!p0 [hbm:s6], $0xF7A  }
0x23: {  	s9 =	sor.u32 $0xD0000000, s2;
	s6 =	simm.s32 $0x108;
	_ =	swait.ge @!p0 [sflag:s8], $0x0  }
0x24: {  	s3 =	sadd.s32 $0x88, s3;
	s6 =	simm.s32 @!p1 $0x1082;
	[sflag:s4] =	ssyncset.s32 $0xFFFFF086  }
0x25: {  	[simem:s6], [sflag:s4] =	dma.local [hbm:s3], $0xF7A  }
0x26: {  	[smem:$0x3F9F] =	sst s1;
	(tag) =	ssettag s2;
	_ =	strace s9  }
0x27: {  	s1 =	sld [smem:$0x3FAF]  }
0x28: {  	s2 =	sld [smem:$0x3FB0]  }
0x29: {  	s4 =	sld [smem:$0x3FB2]  }
0x2a: {  	p0 =	seq.s32 s5, $0x0;
	s5 =	sld [smem:$0x3FB3]  }
0x2b: {  	s6 =	sld [smem:$0x3FB4]  }
0x2c: {  	s7 =	sld [smem:$0x3FB5]  }
0x2d: {  	s3 =	simm.s32 $0x108;
	s8 =	sld [smem:$0x3FB6]  }
0x2e: {  	s3 =	simm.s32 @!p0 $0x1082;
	s9 =	sld [smem:$0x3FB7]  }
0x2f: {  	lr =	sadd.s32 s0, s3;
	s0 =	sld [smem:$0x3FAE]  }
0x30: {  	s3 =	sld [smem:$0x3FB1]  }
0x31: {  	[smem:$0x3FBA] =	sst s10  }
0x32: {  	s10 =	sld [smem:$0x3FB8];
	_ =	sdelay $0x3  }
0x33: {  	p0 =	seq.s32 s10, $0x1;
	s10 =	sld [smem:$0x3FBA];
	_ =	sdelay $0x3  }
0x34: {  	[smem:$0x3FBA] =	sst s10  }
0x35: {  	s10 =	sld [smem:$0x3FB9];
	_ =	sdelay $0x3  }
0x36: {  	p1 =	seq.s32 s10, $0x1;
	s10 =	sld [smem:$0x3FBA];
	_ =	sdelay $0x3  }
0x37: {  	[smem:$0x3FBA] =	sst s10  }
0x38: {  	s10 =	sld [smem:$0x3FBB]  }
0x39: {  	_ = 	snop;
	(pc) =	sbr.ind lr, $3  }
0x3a: {  	_ = 	snop  }
0x3b: {  	_ = 	snop  }
0x3c: {  	p2 =	seq.s32 s10, $0x1;
	s10 =	sld [smem:$0x3FBA]  }
0x3d: {  	_ =	shalt  }
0x3e: {  	_ =	shalt  }
0x3f: {  	_ =	shalt  }
0x40: {  	_ =	shalt  }
0x41: {  	_ =	shalt  }
0x42: {  	_ =	shalt  }
0x43: {  	_ =	shalt  }
0x44: {  	_ =	shalt  }
0x45: {  	_ =	shalt  }
0x46: {  	_ =	shalt  }
0x47: {  	_ =	shalt  }
0x48: {  	_ =	shalt  }
0x49: {  	_ =	shalt  }
0x4a: {  	_ =	shalt  }
0x4b: {  	_ =	shalt  }
0x4c: {  	_ =	shalt  }
0x4d: {  	_ =	shalt  }
0x4e: {  	_ =	shalt  }
0x4f: {  	_ =	shalt  }
0x50: {  	_ =	shalt  }
0x51: {  	_ =	shalt  }
0x52: {  	_ =	shalt  }
0x53: {  	_ =	shalt  }
0x54: {  	_ =	shalt  }
0x55: {  	_ =	shalt  }
0x56: {  	_ =	shalt  }
0x57: {  	_ =	shalt  }
0x58: {  	_ =	shalt  }
0x59: {  	_ =	shalt  }
0x5a: {  	_ =	shalt  }
0x5b: {  	_ =	shalt  }
0x5c: {  	_ =	shalt  }
0x5d: {  	_ =	shalt  }
0x5e: {  	_ =	shalt  }
0x5f: {  	_ =	shalt  }
0x60: {  	_ =	shalt  }
0x61: {  	_ =	shalt  }
0x62: {  	_ =	shalt  }
0x63: {  	_ =	shalt  }
0x64: {  	_ =	shalt  }
0x65: {  	_ =	shalt  }
0x66: {  	_ =	shalt  }
0x67: {  	_ =	shalt  }
0x68: {  	_ =	shalt  }
0x69: {  	_ =	shalt  }
0x6a: {  	_ =	shalt  }
0x6b: {  	_ =	shalt  }
0x6c: {  	_ =	shalt  }
0x6d: {  	_ =	shalt  }
0x6e: {  	_ =	shalt  }
0x6f: {  	_ =	shalt  }
0x70: {  	_ =	shalt  }
0x71: {  	_ =	shalt  }
0x72: {  	_ =	shalt  }
0x73: {  	_ =	shalt  }
0x74: {  	_ =	shalt  }
0x75: {  	_ =	shalt  }
0x76: {  	_ =	shalt  }
0x77: {  	_ =	shalt  }
0x78: {  	_ =	shalt  }
0x79: {  	_ =	shalt  }
0x7a: {  	_ =	shalt  }
0x7b: {  	_ =	shalt  }
0x7c: {  	_ =	shalt  }
0x7d: {  	_ =	shalt  }
0x7e: {  	_ =	shalt  }
0x7f: {  	_ =	shalt  }
0x80: {  	_ =	shalt  }
0x81: {  	_ =	shalt  }
0x82: {  	_ =	shalt  }
0x83: {  	_ =	shalt  }
0x84: {  	_ =	shalt  }
0x85: {  	_ =	shalt  }
0x86: {  	_ =	shalt  }
0x87: {  	_ =	shalt  }
.Lfunc_end0:
.L_simem_size_0:
called_computation_lowered:
.L_overlay_start_0:
0x88: {  	s0 =	sld [smem:$0x3FD9]  }
0x89: {  	s1 =	sld [smem:$0x3FFE];
	_ =	sdelay $0x3  }
0x8a: {  	s0 =	sadd.s32 s1, s0  }
0x8b: {  	[smem:$0x3FC6] =	sst s0  }
0x8c: {  	_ = 	snop  }
0x8d: {  	s0 =	sld [smem:$0x3FC9]  }
0x8e: {  	s16 =	sld [smem:$0x3FC8];
	(tm) =	ssettm $0x1  }
0x8f: {  	s2 =	sld [smem:$0x3FFB];
	_ =	sdelay $0x3  }
0x90: {  	_ =	strace s2  }
0x91: {  	s2 =	sld [smem:$0x3FFC];
	_ =	sdelay $0x3  }
0x92: {  	_ =	strace s2  }
0x93: {  	s2 =	sld [smem:$0x3FFD];
	_ =	sdelay $0x3  }
0x94: {  	_ =	strace s2  }
0x95: {  	_ =	strace $0x8FFFFFFF  }
0x96: {  	s17 =	sld [smem:$0x3FDB];
	_ =	sdelay $0x1  }
0x97: {  	s3 =	simm.s32 $_scs_section_size  }
0x98: {  	s4 =	simm.s32 $_size__tile_overlayer_lowered;
	s5 =	simm.s32 $_tile_overlayer_lowered  }
0x99: {  	s20 =	simm.s32 $0x1BFF;
	s19 =	sshll.u32 s5, $0x1;
	s2 =	sadd.s32 s3, s17  }
0x9a: {  	s6 =	simm.s32 $0x0;
	s18 =	sshll.u32 s4, $0x1;
	s4 =	sadd.s32 s19, s2  }
0x9b: {  	[timem:s6], [sflag:s20] =	dma.local [hbm:s4], s18  }
0x9c: {  	_ =	swait.ge [sflag:s20], s18  }
0x9d: {  	s3 =	ssub.s32 $0x0, s18;
	[sflag:s20] =	ssyncset.done $0x0  }
0x9e: {  	[sflag:s20] =	ssyncadd.s32 s3;
	_ =	sdelay $0x1  }
0x9f: {  	s21 =	simm.s32 $0x1B8B  }
0xa0: {  	_ =	swait.ge [sflag:s21], $0x1  }
0xa1: {  	[sflag:s21] =	ssyncset.done $0x0  }
0xa2: {  	s23 =	simm.s32 $0x1B8E;
	s22 =	sld [smem:$0x3FFE];
	[sflag:s21] =	ssyncadd.s32 $0xFFFFFFFF  }
0xa3: {  	s24 =	simm.s32 $execute0_lowered;
	[smem:$0x3FD2] =	sst s23  }
0xa4: {  	s4 =	sshll.u32 s24, $0x1;
	_ =	strace $0x80000046;
	[dreg:$0x1] =	wrdreg $0xFFFFFFFF  }
0xa5: {  	s25 =	simm.s32 $_size_execute0_lowered;
	s2 =	sadd.s32 s2, s4;
	[dreg:$0x0] =	wrdreg $0x0  }
0xa6: {  	s4 =	sshll.u32 s25, $0x1;
	[dreg:$0x2] =	wrdreg s2  }
0xa7: {  	[dreg:$0x3] =	wrdreg s4  }
0xa8: {  	[dreg:$0x4] =	wrdreg $0xC0  }
0xa9: {  	_ =	task [dreg:s6], $0x5FFFF  }
0xaa: {  	[dreg:$0x1] =	wrdreg $0xFFFFFFFF  }
0xab: {  	[dreg:$0x0] =	wrdreg $0x60  }
0xac: {  	[dreg:$0x2] =	wrdreg s0  }
0xad: {  	[dreg:$0x3] =	wrdreg s16  }
0xae: {  	[dreg:$0x4] =	wrdreg s22  }
0xaf: {  	[dreg:$0x5] =	wrdreg $0x9  }
0xb0: {  	_ =	task.clear_ibuf [dreg:s6], $0x6FFFF;
	_ =	strace $0x90000046  }
0xb1: {  	s26 =	simm.s32 $0x9;
	_ =	strace $0x80000048  }
0xb2: {  	_ =	swait.ge [sflag:s26], $0x1  }
0xb3: {  	[sflag:s26] =	ssyncadd.s32 $0xFFFFFFFF  }
0xb4: {  	_ =	strace $0x90000048  }
0xb5: {  	_ =	sfence  }
0xb6: {  	s28 =	sld [smem:$0x0];
	_ =	sdelay $0x1  }
0xb7: {  	s29 =	srdreg.scid  }
0xb8: {  	s30 =	sshll.u32 s29, $0xD;
	s31 =	sshrl.u32 s29, $0x2  }
0xb9: {  	s1 =	sand.u32 $0x1, s29;
	s2 =	sand.u32 $0x4000, s30;
	s0 =	sadd.s32 s31, s28  }
0xba: {  	s1 =	sor.u32 s2, s1;
	s0 =	sshll.u32 s0, $0x11  }
0xbb: {  	s0 =	sor.u32 s0, s1  }
0xbc: {  	s0 =	sadd.s32 $0x8F2B, s0  }
0xbd: {  	[sflag:s0] =	ssyncadd.remote.s32 $0x1  }
0xbe: {  	_ =	sfence.sel $0xFFFF  }
0xbf: {  	[dreg:$0x0] =	wrdreg $0xFFFFFFFF;
	(pc) =	sbr.abs _section_cstart, $3  }
0xc0: {  	[dreg:$0x1] =	wrdreg $0xFFFFFFFF  }
0xc1: {  	_ =	task.clear_ibuf [dreg:s6], $0x2FFFF;
	_ =	strace $0x9FFFFFFF  }
0xc2: {  	(tm) =	ssettm $0x7FFFFFFF  }
0xc3: {  	_ =	shalt  }
tec
execute0_lowered:
.L_overlay_start_1:
0x0: {  	(tag) =	ssettag $0x1  }
0x1: {  	s6 =	rddreg [dreg:$0x0]  }
0x2: {  	s7 =	rddreg [dreg:$0x1];
	s1 =	stileid.u32  }
0x3: {  	s2 =	rddreg [dreg:$0x2];
	s4 =	sshrl.u32 s1, $0x3;
	s5 =	sshll.u32 s1, $0x7  }
0x4: {  	s0 =	rddreg [dreg:$0x3];
	s5 =	sand.u32 $0x380, s5;
	s8 =	sshll.u32 s4, $0xB  }
0x5: {  	s3 =	simm.s32 $0x0;
	s21 =	simm.s32 $0x80;
	s8 =	sor.u32 s5, s8  }
0x6: {  	s9 =	simm.s32 $0x400;
	[smem:$0x7FF] =	sst s3;
	s8 =	sshrl.u32 s8, $0x3  }
0x7: {  	s22 =	simm.s32 $0x1;
	_ =	strace $0x80000047;
	s7 =	sadd.s32 s7, s8  }
0x8: {  	[tilespmem:s3], [sflag:$0x1] =	stream.strided.gather [hbm4b:s7+s21], $0x100, s9, s21, $0x38;
	[tilespmem:$0x280] =	vst v63  }
0x9: {  	_ =	swait.ge [sflag:s22], $0x100  }
0xa: {  	[sflag:s22] =	ssyncset.done $0x0  }
0xb: {  	[sflag:s22] =	ssyncadd.s32 $0xFFFFFF00  }
0xc: {  	v0 =	vld [tilespmem:$0x0]  }
0xd: {  	v1 =	vld [tilespmem:$0x10]  }
0xe: {  	v4 =	vld [tilespmem:$0x20]  }
0xf: {  	s23 =	sshll.u32 s1, $0x6;
	v6 =	vld [tilespmem:$0x30]  }
0x10: {  	v3 =	vlaneseq.u32;
	s24 =	sor.u32 $0x10, s23  }
0x11: {  	v3 =	vmul.u32 $0x8000, v3;
	v2 =	vmov s23;
	v5 =	vmov s24  }
0x12: {  	v2 =	vshll.u32 v2, $0xF;
	v5 =	vshll.u32 v5, $0xF;
	v0 =	vtrunc.f32 v0  }
0x13: {  	v2 =	vor.u32 v3, v2;
	v1 =	vtrunc.f32 v1;
	v4 =	vtrunc.f32 v4  }
0x14: {  	v5 =	vor.u32 v3, v5;
	s7 =	sor.u32 $0x30, s23;
	v30 =	vtrunc.f32 v6;
	v0 =	vcvt.f32.s32 v0  }
0x15: {  	v29 =	vmov s7;
	v1 =	vcvt.f32.s32 v1;
	v28 =	vcvt.f32.s32 v4  }
0x16: {  	s25 =	sor.u32 $0x20, s23;
	v4 =	vshll.u32 v29, $0xF;
	v32 =	vcvt.f32.s32 v30;
	v0 =	vadd.s32 v0, v2  }
0x17: {  	v7 =	vmov s25;
	v33 =	vor.u32 v3, v4;
	v27 =	vadd.s32 v1, v5;
	[tilespmem:$0x100] =	vst v0  }
0x18: {  	v26 =	vshll.u32 v7, $0xF;
	v34 =	vadd.s32 v32, v33;
	[tilespmem:$0x110] =	vst v27  }
0x19: {  	v2 =	vor.u32 v3, v26;
	v0 =	vadd.s32 $0x4000, v0;
	[tilespmem:$0x130] =	vst v34  }
0x1a: {  	v31 =	vadd.s32 v28, v2;
	[tilespmem:$0x140] =	vst v0  }
0x1b: {  	v0 =	vadd.s32 $0x4000, v27;
	[tilespmem:$0x120] =	vst v31  }
0x1c: {  	[tilespmem:$0x150] =	vst v0;
	v0 =	vadd.s32 $0x4000, v31  }
0x1d: {  	[tilespmem:$0x160] =	vst v0;
	v0 =	vadd.s32 $0x4000, v34  }
0x1e: {  	s26 =	simm.s32 $0x100;
	s28 =	simm.s32 $0x180;
	s29 =	simm.s32 $0x2;
	[tilespmem:$0x170] =	vst v0  }
0x1f: {  	[tilespmem:s28], [sflag:$0x2] =	stream.indirect.gather [hbm4b:s6+s21], $0x1, s26, s21, $0xb8;
	[tilespmem:$0x280] =	vst v63  }
0x20: {  	_ =	swait.ge [sflag:s29], $0x80  }
0x21: {  	[sflag:s29] =	ssyncset.done $0x0  }
0x22: {  	[sflag:s29] =	ssyncadd.s32 $0xFFFFFF80  }
0x23: {  	v35 =	vld [tilespmem:$0x180]  }
0x24: {  	v36 =	vld [tilespmem:$0x40]  }
0x25: {  	v37 =	vld [tilespmem:$0xC0]  }
0x26: {  	v38 =	vld [tilespmem:$0x190]  }
0x27: {  	v39 =	vld [tilespmem:$0x50]  }
0x28: {  	v40 =	vld [tilespmem:$0xD0]  }
0x29: {  	v41 =	vld [tilespmem:$0x1A0]  }
0x2a: {  	v42 =	vld [tilespmem:$0x60]  }
0x2b: {  	v8 =	vld [tilespmem:$0xE0]  }
0x2c: {  	v9 =	vld [tilespmem:$0x1B0]  }
0x2d: {  	v10 =	vld [tilespmem:$0x70]  }
0x2e: {  	v11 =	vld [tilespmem:$0xF0]  }
0x2f: {  	v12 =	vld [tilespmem:$0x1C0];
	v0 =	vmul.f32 v37, v35;
	v1 =	vmul.f32 v37, v36  }
0x30: {  	v44 =	vld [tilespmem:$0x80];
	v3 =	vmul.f32 v40, v38;
	v4 =	vmul.f32 v40, v39  }
0x31: {  	v47 =	vld [tilespmem:$0x1D0];
	v45 =	vmul.f32 v8, v41  }
0x32: {  	v13 =	vld [tilespmem:$0x90];
	v46 =	vmul.f32 v8, v42;
	v0 =	vsub.f32 v0, v1;
	v43 =	vsub.f32 v3, v4  }
0x33: {  	v50 =	vld [tilespmem:$0x1E0];
	v48 =	vmul.f32 v11, v9;
	v49 =	vmul.f32 v11, v10  }
0x34: {  	v51 =	vld [tilespmem:$0xA0];
	v4 =	vsub.f32 v45, v46;
	v0 =	vand.u32 $0x7FFFFFFF, v0;
	v1 =	vand.u32 $0x7FFFFFFF, v43  }
0x35: {  	v53 =	vld [tilespmem:$0x1F0];
	v52 =	vmul.f32 v12, v37;
	v0 =	vadd.f32 v1, v0  }
0x36: {  	v55 =	vld [tilespmem:$0xB0];
	v6 =	vsub.f32 v48, v49;
	v3 =	vmul.f32 v44, v37;
	v4 =	vand.u32 $0x7FFFFFFF, v4  }
0x37: {  	v7 =	vmul.f32 v47, v40;
	v0 =	vadd.f32 v4, v0  }
0x38: {  	v54 =	vmul.f32 v13, v40;
	v6 =	vand.u32 $0x7FFFFFFF, v6;
	v3 =	vsub.f32 v52, v3  }
0x39: {  	v57 =	vmul.f32 v50, v8;
	v2 =	vadd.f32 $0.0e+00, v37;
	v0 =	vadd.f32 v6, v0  }
0x3a: {  	v56 =	vsub.f32 v7, v54;
	v1 =	vmul.f32 v51, v8;
	v3 =	vand.u32 $0x7FFFFFFF, v3  }
0x3b: {  	v59 =	vmul.f32 v53, v11;
	v60 =	vmul.f32 v55, v11;
	v0 =	vadd.f32 v3, v0  }
0x3c: {  	v2 =	vadd.f32 v40, v2;
	v58 =	vand.u32 $0x7FFFFFFF, v56;
	v1 =	vsub.f32 v57, v1  }
0x3d: {  	v0 =	vadd.f32 v58, v0  }
0x3e: {  	v61 =	vsub.f32 v59, v60;
	v2 =	vadd.f32 v8, v2;
	v1 =	vand.u32 $0x7FFFFFFF, v1  }
0x3f: {  	s4 =	sshll.u32 s4, $0xA;
	v0 =	vadd.f32 v1, v0  }
0x40: {  	s4 =	sor.u32 s5, s4;
	v62 =	vand.u32 $0x7FFFFFFF, v61;
	v63 =	vadd.f32 v11, v2  }
0x41: {  	s4 =	sshrl.u32 s4, $0x3;
	v0 =	vadd.f32 v62, v0  }
0x42: {  	s2 =	sadd.s32 s4, s2;
	[tilespmem:$0x210] =	vst v63  }
0x43: {  	s30 =	simm.s32 $0x200;
	s31 =	simm.s32 $0x3;
	s2 =	sadd.s32 $0x600, s2;
	[tilespmem:$0x200] =	vst v0  }
0x44: {  	[hbm4b:s2+s3] =	stream.linear.scatter [tilespmem:s30], [sflag:$0x3], $0x80, $0x38;
	[tilespmem:$0x280] =	vst v63  }
0x45: {  	_ =	swait.ge [sflag:s31], $0x80  }
0x46: {  	[sflag:s31] =	ssyncset.done $0x0  }
0x47: {  	[sflag:s31] =	ssyncadd.s32 $0xFFFFFF80  }
0x48: {  	_ =	sfence.sel $0x180000  }
0x49: {  	[bflag:$0x0] =	sbarrier.arrive $0xFFFF  }
0x4a: {  	p0 =	sne.s32 s1, $0x0;
	_ =	strace $0x90000047  }
0x4b: {  	s0 =	sadd.s32 @!p0 $0x100000, s0;
	[bflag:$0x2] =	sbarrier.arrive $0xFFFF  }
0x4c: {  	[sflag:s0] =	ssyncadd.tile.s32 @!p0 $0x1;
	_ =	shalt  }
.Lfunc_end2:
_tile_overlayer_lowered:
.L_overlay_start_2:
0x4d: {  	(tag) =	ssettag $0x2  }
0x4e: {  	s0 =	rddreg [dreg:$0x0];
	s2 =	stileid.u32  }
0x4f: {  	s1 =	rddreg [dreg:$0x1];
	p0 =	sne.s32 s2, $0x0  }
0x50: {  	s3 =	rddreg [dreg:$0x2];
	[bflag:$0x3] =	sbarrier.arrive $0xFFFF;
	s2 =	simm.s32 @!p0 $0x1C03  }
0x51: {  	[timem:s3], [sflag:s2] =	dma.local @!p0 [hbm:s0], s1  }
0x52: {  	s0 =	simm.s32 @!p0 $0x3  }
0x53: {  	_ =	swait.ge @!p0 [sflag:s0], s1  }
0x54: {  	s1 =	ssub.s32 @!p0 $0x0, s1;
	[sflag:s0] =	ssyncset.done @!p0 $0x0  }
0x55: {  	[sflag:s0] =	ssyncadd.s32 @!p0 s1  }
0x56: {  	[bflag:$0x3] =	sbarrier.arrive $0xFFFF  }
0x57: {  	_ =	shalt  }

</sc_bundles>
